<compile_context>
chip_gen: v7x
topology: tpu7x:2x2x1
jax: 0.10.2.dev20260603
libtpu: 0.0.44.dev20260713+nightly
codegen_flags: <defaults>
</compile_context>

<pallas_src>
import functools

import jax
import jax.numpy as jnp
from jax import lax
from jax.experimental import pallas as pl
from jax.experimental.pallas import tpu as pltpu
from jax.experimental.pallas import tpu_sc as plsc

_VOCAB = 1000000
_EMB = 64
_NODE = 64
_BATCH = 16384

_info = plsc.get_sparse_core_info()
_NC = _info.num_cores
_NS = _info.num_subcores
_NW = _NC * _NS
_BPW = _BATCH // _NW
_CH = 128
_NCH = _BPW // _CH

_sc_mesh = plsc.VectorSubcoreMesh(core_axis_name="c", subcore_axis_name="s")


@functools.partial(
    pl.kernel,
    mesh=_sc_mesh,
    compiler_params=pltpu.CompilerParams(use_tc_tiling_on_sc=False),
    out_type=(
        jax.ShapeDtypeStruct((_BATCH, _EMB), jnp.float32),
        jax.ShapeDtypeStruct((_BATCH, _EMB), jnp.float32),
    ),
    scratch_types=[
        pltpu.VMEM((_NCH, _CH), jnp.int32),
        pltpu.VMEM((_NCH, _CH), jnp.int32),
        pltpu.VMEM((_BPW, _EMB), jnp.float32),
        pltpu.VMEM((_BPW, _EMB), jnp.float32),
        pltpu.SemaphoreType.DMA,
        pltpu.SemaphoreType.DMA,
    ],
)
def _sc_dual_gather(tidx_hbm, cidx_hbm, ttab_hbm, ctab_hbm,
                    tout_hbm, cout_hbm,
                    tidx_v, cidx_v, trows_v, crows_v, tsem, csem):
    wid = lax.axis_index("s") * _NC + lax.axis_index("c")
    base = wid * _BPW
    pltpu.sync_copy(tidx_hbm.at[pl.ds(wid * _NCH, _NCH)], tidx_v)
    pltpu.sync_copy(cidx_hbm.at[pl.ds(wid * _NCH, _NCH)], cidx_v)
    handles = []
    for j in range(_NCH):
        handles.append(pltpu.async_copy(
            ttab_hbm.at[tidx_v.at[j]], trows_v.at[pl.ds(j * _CH, _CH)], tsem))
        handles.append(pltpu.async_copy(
            ctab_hbm.at[cidx_v.at[j]], crows_v.at[pl.ds(j * _CH, _CH)], csem))
    for h in handles:
        h.wait()
    pltpu.sync_copy(trows_v, tout_hbm.at[pl.ds(base, _BPW)])
    pltpu.sync_copy(crows_v, cout_hbm.at[pl.ds(base, _BPW)])


_BLK = 2048


def _ffnn_body(t_ref, c_ref, w1_ref, b1_ref, w2_ref, b2_ref, w3_ref, b3_ref,
               o_ref):
    w1 = w1_ref[...]
    h = jnp.dot(t_ref[...], w1[:_EMB], preferred_element_type=jnp.float32)
    h = h + jnp.dot(c_ref[...], w1[_EMB:], preferred_element_type=jnp.float32)
    h = h + b1_ref[...]
    h = jnp.dot(h, w2_ref[...], preferred_element_type=jnp.float32)
    h = h + b2_ref[...]
    o = jnp.dot(h, w3_ref[...], preferred_element_type=jnp.float32)
    o = o + b3_ref[...]
    o_ref[...] = jax.nn.sigmoid(o)


_ffnn_call = pl.pallas_call(
    _ffnn_body,
    grid=(_BATCH // _BLK,),
    in_specs=[
        pl.BlockSpec((_BLK, _EMB), lambda i: (i, 0)),
        pl.BlockSpec((_BLK, _EMB), lambda i: (i, 0)),
        pl.BlockSpec((2 * _EMB, _NODE), lambda i: (0, 0)),
        pl.BlockSpec((1, _NODE), lambda i: (0, 0)),
        pl.BlockSpec((_NODE, _NODE), lambda i: (0, 0)),
        pl.BlockSpec((1, _NODE), lambda i: (0, 0)),
        pl.BlockSpec((_NODE, 1), lambda i: (0, 0)),
        pl.BlockSpec((1, 1), lambda i: (0, 0)),
    ],
    out_specs=pl.BlockSpec((_BLK, 1), lambda i: (i, 0)),
    out_shape=jax.ShapeDtypeStruct((_BATCH, 1), jnp.float32),
)


@jax.jit
def kernel(inputs, target_table, context_table, W1, b1, W2, b2, W3, b3):
    idx = inputs.astype(jnp.int32)
    tidx = idx[:, 0].reshape(_NW * _NCH, _CH)
    cidx = idx[:, 1].reshape(_NW * _NCH, _CH)
    t_rows, c_rows = _sc_dual_gather(tidx, cidx, target_table, context_table)
    return _ffnn_call(
        t_rows, c_rows, W1, b1.reshape(1, _NODE), W2, b2.reshape(1, _NODE),
        W3, b3.reshape(1, 1))

# --- scband reference (transcript-rebuilt; emitter-appended) ---
"""Pipeline reference for scband-simple-word2-vec-ffnn-11785390260728 (READ-ONLY COPY).

The authoritative reference and input builder live on the scoring server;
editing this copy changes nothing except your own understanding.
"""

import jax, jax.numpy as jnp
import numpy as np

VOCAB = 1000000
EMB = 64
NODE = 64
BATCH = 16384

def setup_inputs(seed: int = 0) -> dict:
    key = jax.random.key(seed)
    ks = jax.random.split(key, 10)
    inputs = jax.random.randint(ks[0], (BATCH, 2), 0, VOCAB, dtype=jnp.int64 if jax.config.jax_enable_x64 else jnp.int32).astype(jnp.int32)
    target_table = jax.random.normal(ks[1], (VOCAB, EMB), dtype=jnp.float32) * 0.02
    context_table = jax.random.normal(ks[2], (VOCAB, EMB), dtype=jnp.float32) * 0.02
    W1 = jax.random.normal(ks[3], (2 * EMB, NODE), dtype=jnp.float32) * (1.0 / np.sqrt(2 * EMB))
    b1 = jnp.zeros((NODE,), dtype=jnp.float32)
    W2 = jax.random.normal(ks[4], (NODE, NODE), dtype=jnp.float32) * (1.0 / np.sqrt(NODE))
    b2 = jnp.zeros((NODE,), dtype=jnp.float32)
    W3 = jax.random.normal(ks[5], (NODE, 1), dtype=jnp.float32) * (1.0 / np.sqrt(NODE))
    b3 = jnp.zeros((1,), dtype=jnp.float32)
    return {"inputs": inputs, "target_table": target_table, "context_table": context_table,
            "W1": W1, "b1": b1, "W2": W2, "b2": b2, "W3": W3, "b3": b3}

def reference(inputs, target_table, context_table, W1, b1, W2, b2, W3, b3):
    target = inputs[:, 0]
    context = inputs[:, 1]
    target_emb = jnp.take(target_table, target, axis=0)
    context_emb = jnp.take(context_table, context, axis=0)
    combined = jnp.concatenate([target_emb, context_emb], axis=1)
    out = combined @ W1 + b1
    out = out @ W2 + b2
    out = out @ W3 + b3
    out = jax.nn.sigmoid(out)
    return out

if __name__ == "__main__":
    import jax
    _d = setup_inputs()
    print(jax.jit(kernel)(*tuple(_d.values())))

</pallas_src>

<mosaic_0001>
#map = affine_map<(d0, d1) -> (0, 0)>
module attributes {stable_mosaic.version = 14 : i64} {
  func.func @_sc_dual_gather(%arg0: i32, %arg1: i32, %arg2: memref<128x128xi32, #tpu.memory_space<hbm>>, %arg3: memref<128x128xi32, #tpu.memory_space<hbm>>, %arg4: memref<1000000x64xf32, #tpu.memory_space<hbm>>, %arg5: memref<1000000x64xf32, #tpu.memory_space<hbm>>, %arg6: memref<16384x64xf32, #tpu.memory_space<hbm>>, %arg7: memref<16384x64xf32, #tpu.memory_space<hbm>>, %arg8: memref<4x128xi32, #tpu.memory_space<vmem>>, %arg9: memref<4x128xi32, #tpu.memory_space<vmem>>, %arg10: memref<512x64xf32, #tpu.memory_space<vmem>>, %arg11: memref<512x64xf32, #tpu.memory_space<vmem>>, %arg12: memref<!tpu.dma_semaphore, #tpu.memory_space<semaphore_mem>>, %arg13: memref<!tpu.dma_semaphore, #tpu.memory_space<semaphore_mem>>) attributes {dimension_semantics = [#tpu.dimension_semantics<core_parallel>, #tpu.dimension_semantics<subcore_parallel>], iteration_bounds = array<i64: 2, 16>, scalar_prefetch = 0 : i64, scratch_operands = 6 : i64, tpu.core_type = #tpu.core_type<sc_vector_subcore>, window_params = [{transform_indices = #map}, {transform_indices = #map}, {transform_indices = #map}, {transform_indices = #map}, {transform_indices = #map}, {transform_indices = #map}]} {
    %mul3A = arith.constant 2 : i32
    %mul3A_0 = arith.muli %arg1, %mul3A : i32
    %add3A = arith.addi %mul3A_0, %arg0 : i32
    %mul3A_1 = arith.constant 512 : i32
    %mul3A_2 = arith.muli %add3A, %mul3A_1 : i32
    %mul3A_3 = arith.constant 4 : i32
    %mul3A_4 = arith.muli %add3A, %mul3A_3 : i32
    "tpu.region"() ({
      %run_scoped3A = tpu.sem_alloc : memref<!tpu.dma_semaphore, #tpu.memory_space<semaphore_mem>>
      %dma_start3A_165 = arith.constant 0 : i32
      %dma_start3A_166 = tpu.memref_slice %arg2[%mul3A_4, %dma_start3A_165] : memref<128x128xi32, #tpu.memory_space<hbm>> -> memref<4x128xi32, #tpu.memory_space<hbm>>
      %dma_start3A_167 = arith.constant 0 : i32
      %dma_start3A_168 = tpu.memref_slice %arg2[%mul3A_4, %dma_start3A_167] : memref<128x128xi32, #tpu.memory_space<hbm>> -> memref<4x128xi32, #tpu.memory_space<hbm>>
      tpu.enqueue_dma source(%dma_start3A_168 : memref<4x128xi32, #tpu.memory_space<hbm>>) target(%arg8 : memref<4x128xi32, #tpu.memory_space<vmem>>) target_semaphore(%run_scoped3A : memref<!tpu.dma_semaphore, #tpu.memory_space<semaphore_mem>>)
      %dma_wait3A_169 = arith.constant 0 : i32
      %dma_wait3A_170 = tpu.memref_slice %arg2[%mul3A_4, %dma_wait3A_169] : memref<128x128xi32, #tpu.memory_space<hbm>> -> memref<4x128xi32, #tpu.memory_space<hbm>>
      %dma_wait3A_171 = arith.constant 0 : i32
      %dma_wait3A_172 = tpu.memref_slice %arg2[%mul3A_4, %dma_wait3A_171] : memref<128x128xi32, #tpu.memory_space<hbm>> -> memref<4x128xi32, #tpu.memory_space<hbm>>
      tpu.wait_dma2 semaphore(%run_scoped3A : memref<!tpu.dma_semaphore, #tpu.memory_space<semaphore_mem>>) src(%dma_wait3A_172 : memref<4x128xi32, #tpu.memory_space<hbm>>) dst(%arg8 : memref<4x128xi32, #tpu.memory_space<vmem>>)
      tpu.yield
    }) : () -> ()
    %mul3A_5 = arith.constant 4 : i32
    %mul3A_6 = arith.muli %add3A, %mul3A_5 : i32
    "tpu.region"() ({
      %run_scoped3A = tpu.sem_alloc : memref<!tpu.dma_semaphore, #tpu.memory_space<semaphore_mem>>
      %dma_start3A_165 = arith.constant 0 : i32
      %dma_start3A_166 = tpu.memref_slice %arg3[%mul3A_6, %dma_start3A_165] : memref<128x128xi32, #tpu.memory_space<hbm>> -> memref<4x128xi32, #tpu.memory_space<hbm>>
      %dma_start3A_167 = arith.constant 0 : i32
      %dma_start3A_168 = tpu.memref_slice %arg3[%mul3A_6, %dma_start3A_167] : memref<128x128xi32, #tpu.memory_space<hbm>> -> memref<4x128xi32, #tpu.memory_space<hbm>>
      tpu.enqueue_dma source(%dma_start3A_168 : memref<4x128xi32, #tpu.memory_space<hbm>>) target(%arg9 : memref<4x128xi32, #tpu.memory_space<vmem>>) target_semaphore(%run_scoped3A : memref<!tpu.dma_semaphore, #tpu.memory_space<semaphore_mem>>)
      %dma_wait3A_169 = arith.constant 0 : i32
      %dma_wait3A_170 = tpu.memref_slice %arg3[%mul3A_6, %dma_wait3A_169] : memref<128x128xi32, #tpu.memory_space<hbm>> -> memref<4x128xi32, #tpu.memory_space<hbm>>
      %dma_wait3A_171 = arith.constant 0 : i32
      %dma_wait3A_172 = tpu.memref_slice %arg3[%mul3A_6, %dma_wait3A_171] : memref<128x128xi32, #tpu.memory_space<hbm>> -> memref<4x128xi32, #tpu.memory_space<hbm>>
      tpu.wait_dma2 semaphore(%run_scoped3A : memref<!tpu.dma_semaphore, #tpu.memory_space<semaphore_mem>>) src(%dma_wait3A_172 : memref<4x128xi32, #tpu.memory_space<hbm>>) dst(%arg9 : memref<4x128xi32, #tpu.memory_space<vmem>>)
      tpu.yield
    }) : () -> ()
    %dma_start3A = arith.constant 0 : i32
    %dma_start3A_7 = arith.constant 0 : i32
    %dma_start3A_8 = arith.constant 0 : i32
    %dma_start3A_9 = tpu.memref_slice %arg10[%dma_start3A_7, %dma_start3A_8] : memref<512x64xf32, #tpu.memory_space<vmem>> -> memref<128x64xf32, #tpu.memory_space<vmem>>
    %dma_start3A_10 = arith.constant 0 : i32
    %dma_start3A_11 = tpu.memref_slice %arg8[%dma_start3A, %dma_start3A_10] : memref<4x128xi32, #tpu.memory_space<vmem>> -> memref<1x128xi32, #tpu.memory_space<vmem>>
    %dma_start3A_12 = tpu.memref_squeeze %dma_start3A_11 : memref<1x128xi32, #tpu.memory_space<vmem>> -> memref<128xi32, #tpu.memory_space<vmem>>
    %dma_start3A_13 = arith.constant 0 : i32
    %dma_start3A_14 = arith.constant 0 : i32
    %dma_start3A_15 = tpu.memref_slice %arg4[%dma_start3A_13, %dma_start3A_14] : memref<1000000x64xf32, #tpu.memory_space<hbm>> -> memref<1000000x64xf32, #tpu.memory_space<hbm>>
    tpu.enqueue_indirect_dma source(%dma_start3A_15 : memref<1000000x64xf32, #tpu.memory_space<hbm>>) target(%dma_start3A_9 : memref<128x64xf32, #tpu.memory_space<vmem>>) offsets(%dma_start3A_12 : memref<128xi32, #tpu.memory_space<vmem>>) semaphore(%arg12 : memref<!tpu.dma_semaphore, #tpu.memory_space<semaphore_mem>>)
    %dma_start3A_16 = arith.constant 0 : i32
    %dma_start3A_17 = arith.constant 0 : i32
    %dma_start3A_18 = arith.constant 0 : i32
    %dma_start3A_19 = tpu.memref_slice %arg11[%dma_start3A_17, %dma_start3A_18] : memref<512x64xf32, #tpu.memory_space<vmem>> -> memref<128x64xf32, #tpu.memory_space<vmem>>
    %dma_start3A_20 = arith.constant 0 : i32
    %dma_start3A_21 = tpu.memref_slice %arg9[%dma_start3A_16, %dma_start3A_20] : memref<4x128xi32, #tpu.memory_space<vmem>> -> memref<1x128xi32, #tpu.memory_space<vmem>>
    %dma_start3A_22 = tpu.memref_squeeze %dma_start3A_21 : memref<1x128xi32, #tpu.memory_space<vmem>> -> memref<128xi32, #tpu.memory_space<vmem>>
    %dma_start3A_23 = arith.constant 0 : i32
    %dma_start3A_24 = arith.constant 0 : i32
    %dma_start3A_25 = tpu.memref_slice %arg5[%dma_start3A_23, %dma_start3A_24] : memref<1000000x64xf32, #tpu.memory_space<hbm>> -> memref<1000000x64xf32, #tpu.memory_space<hbm>>
    tpu.enqueue_indirect_dma source(%dma_start3A_25 : memref<1000000x64xf32, #tpu.memory_space<hbm>>) target(%dma_start3A_19 : memref<128x64xf32, #tpu.memory_space<vmem>>) offsets(%dma_start3A_22 : memref<128xi32, #tpu.memory_space<vmem>>) semaphore(%arg13 : memref<!tpu.dma_semaphore, #tpu.memory_space<semaphore_mem>>)
    %dma_start3A_26 = arith.constant 1 : i32
    %dma_start3A_27 = arith.constant 128 : i32
    %dma_start3A_28 = arith.constant 0 : i32
    %dma_start3A_29 = tpu.memref_slice %arg10[%dma_start3A_27, %dma_start3A_28] : memref<512x64xf32, #tpu.memory_space<vmem>> -> memref<128x64xf32, #tpu.memory_space<vmem>>
    %dma_start3A_30 = arith.constant 0 : i32
    %dma_start3A_31 = tpu.memref_slice %arg8[%dma_start3A_26, %dma_start3A_30] : memref<4x128xi32, #tpu.memory_space<vmem>> -> memref<1x128xi32, #tpu.memory_space<vmem>>
    %dma_start3A_32 = tpu.memref_squeeze %dma_start3A_31 : memref<1x128xi32, #tpu.memory_space<vmem>> -> memref<128xi32, #tpu.memory_space<vmem>>
    %dma_start3A_33 = arith.constant 0 : i32
    %dma_start3A_34 = arith.constant 0 : i32
    %dma_start3A_35 = tpu.memref_slice %arg4[%dma_start3A_33, %dma_start3A_34] : memref<1000000x64xf32, #tpu.memory_space<hbm>> -> memref<1000000x64xf32, #tpu.memory_space<hbm>>
    tpu.enqueue_indirect_dma source(%dma_start3A_35 : memref<1000000x64xf32, #tpu.memory_space<hbm>>) target(%dma_start3A_29 : memref<128x64xf32, #tpu.memory_space<vmem>>) offsets(%dma_start3A_32 : memref<128xi32, #tpu.memory_space<vmem>>) semaphore(%arg12 : memref<!tpu.dma_semaphore, #tpu.memory_space<semaphore_mem>>)
    %dma_start3A_36 = arith.constant 1 : i32
    %dma_start3A_37 = arith.constant 128 : i32
    %dma_start3A_38 = arith.constant 0 : i32
    %dma_start3A_39 = tpu.memref_slice %arg11[%dma_start3A_37, %dma_start3A_38] : memref<512x64xf32, #tpu.memory_space<vmem>> -> memref<128x64xf32, #tpu.memory_space<vmem>>
    %dma_start3A_40 = arith.constant 0 : i32
    %dma_start3A_41 = tpu.memref_slice %arg9[%dma_start3A_36, %dma_start3A_40] : memref<4x128xi32, #tpu.memory_space<vmem>> -> memref<1x128xi32, #tpu.memory_space<vmem>>
    %dma_start3A_42 = tpu.memref_squeeze %dma_start3A_41 : memref<1x128xi32, #tpu.memory_space<vmem>> -> memref<128xi32, #tpu.memory_space<vmem>>
    %dma_start3A_43 = arith.constant 0 : i32
    %dma_start3A_44 = arith.constant 0 : i32
    %dma_start3A_45 = tpu.memref_slice %arg5[%dma_start3A_43, %dma_start3A_44] : memref<1000000x64xf32, #tpu.memory_space<hbm>> -> memref<1000000x64xf32, #tpu.memory_space<hbm>>
    tpu.enqueue_indirect_dma source(%dma_start3A_45 : memref<1000000x64xf32, #tpu.memory_space<hbm>>) target(%dma_start3A_39 : memref<128x64xf32, #tpu.memory_space<vmem>>) offsets(%dma_start3A_42 : memref<128xi32, #tpu.memory_space<vmem>>) semaphore(%arg13 : memref<!tpu.dma_semaphore, #tpu.memory_space<semaphore_mem>>)
    %dma_start3A_46 = arith.constant 2 : i32
    %dma_start3A_47 = arith.constant 256 : i32
    %dma_start3A_48 = arith.constant 0 : i32
    %dma_start3A_49 = tpu.memref_slice %arg10[%dma_start3A_47, %dma_start3A_48] : memref<512x64xf32, #tpu.memory_space<vmem>> -> memref<128x64xf32, #tpu.memory_space<vmem>>
    %dma_start3A_50 = arith.constant 0 : i32
    %dma_start3A_51 = tpu.memref_slice %arg8[%dma_start3A_46, %dma_start3A_50] : memref<4x128xi32, #tpu.memory_space<vmem>> -> memref<1x128xi32, #tpu.memory_space<vmem>>
    %dma_start3A_52 = tpu.memref_squeeze %dma_start3A_51 : memref<1x128xi32, #tpu.memory_space<vmem>> -> memref<128xi32, #tpu.memory_space<vmem>>
    %dma_start3A_53 = arith.constant 0 : i32
    %dma_start3A_54 = arith.constant 0 : i32
    %dma_start3A_55 = tpu.memref_slice %arg4[%dma_start3A_53, %dma_start3A_54] : memref<1000000x64xf32, #tpu.memory_space<hbm>> -> memref<1000000x64xf32, #tpu.memory_space<hbm>>
    tpu.enqueue_indirect_dma source(%dma_start3A_55 : memref<1000000x64xf32, #tpu.memory_space<hbm>>) target(%dma_start3A_49 : memref<128x64xf32, #tpu.memory_space<vmem>>) offsets(%dma_start3A_52 : memref<128xi32, #tpu.memory_space<vmem>>) semaphore(%arg12 : memref<!tpu.dma_semaphore, #tpu.memory_space<semaphore_mem>>)
    %dma_start3A_56 = arith.constant 2 : i32
    %dma_start3A_57 = arith.constant 256 : i32
    %dma_start3A_58 = arith.constant 0 : i32
    %dma_start3A_59 = tpu.memref_slice %arg11[%dma_start3A_57, %dma_start3A_58] : memref<512x64xf32, #tpu.memory_space<vmem>> -> memref<128x64xf32, #tpu.memory_space<vmem>>
    %dma_start3A_60 = arith.constant 0 : i32
    %dma_start3A_61 = tpu.memref_slice %arg9[%dma_start3A_56, %dma_start3A_60] : memref<4x128xi32, #tpu.memory_space<vmem>> -> memref<1x128xi32, #tpu.memory_space<vmem>>
    %dma_start3A_62 = tpu.memref_squeeze %dma_start3A_61 : memref<1x128xi32, #tpu.memory_space<vmem>> -> memref<128xi32, #tpu.memory_space<vmem>>
    %dma_start3A_63 = arith.constant 0 : i32
    %dma_start3A_64 = arith.constant 0 : i32
    %dma_start3A_65 = tpu.memref_slice %arg5[%dma_start3A_63, %dma_start3A_64] : memref<1000000x64xf32, #tpu.memory_space<hbm>> -> memref<1000000x64xf32, #tpu.memory_space<hbm>>
    tpu.enqueue_indirect_dma source(%dma_start3A_65 : memref<1000000x64xf32, #tpu.memory_space<hbm>>) target(%dma_start3A_59 : memref<128x64xf32, #tpu.memory_space<vmem>>) offsets(%dma_start3A_62 : memref<128xi32, #tpu.memory_space<vmem>>) semaphore(%arg13 : memref<!tpu.dma_semaphore, #tpu.memory_space<semaphore_mem>>)
    %dma_start3A_66 = arith.constant 3 : i32
    %dma_start3A_67 = arith.constant 384 : i32
    %dma_start3A_68 = arith.constant 0 : i32
    %dma_start3A_69 = tpu.memref_slice %arg10[%dma_start3A_67, %dma_start3A_68] : memref<512x64xf32, #tpu.memory_space<vmem>> -> memref<128x64xf32, #tpu.memory_space<vmem>>
    %dma_start3A_70 = arith.constant 0 : i32
    %dma_start3A_71 = tpu.memref_slice %arg8[%dma_start3A_66, %dma_start3A_70] : memref<4x128xi32, #tpu.memory_space<vmem>> -> memref<1x128xi32, #tpu.memory_space<vmem>>
    %dma_start3A_72 = tpu.memref_squeeze %dma_start3A_71 : memref<1x128xi32, #tpu.memory_space<vmem>> -> memref<128xi32, #tpu.memory_space<vmem>>
    %dma_start3A_73 = arith.constant 0 : i32
    %dma_start3A_74 = arith.constant 0 : i32
    %dma_start3A_75 = tpu.memref_slice %arg4[%dma_start3A_73, %dma_start3A_74] : memref<1000000x64xf32, #tpu.memory_space<hbm>> -> memref<1000000x64xf32, #tpu.memory_space<hbm>>
    tpu.enqueue_indirect_dma source(%dma_start3A_75 : memref<1000000x64xf32, #tpu.memory_space<hbm>>) target(%dma_start3A_69 : memref<128x64xf32, #tpu.memory_space<vmem>>) offsets(%dma_start3A_72 : memref<128xi32, #tpu.memory_space<vmem>>) semaphore(%arg12 : memref<!tpu.dma_semaphore, #tpu.memory_space<semaphore_mem>>)
    %dma_start3A_76 = arith.constant 3 : i32
    %dma_start3A_77 = arith.constant 384 : i32
    %dma_start3A_78 = arith.constant 0 : i32
    %dma_start3A_79 = tpu.memref_slice %arg11[%dma_start3A_77, %dma_start3A_78] : memref<512x64xf32, #tpu.memory_space<vmem>> -> memref<128x64xf32, #tpu.memory_space<vmem>>
    %dma_start3A_80 = arith.constant 0 : i32
    %dma_start3A_81 = tpu.memref_slice %arg9[%dma_start3A_76, %dma_start3A_80] : memref<4x128xi32, #tpu.memory_space<vmem>> -> memref<1x128xi32, #tpu.memory_space<vmem>>
    %dma_start3A_82 = tpu.memref_squeeze %dma_start3A_81 : memref<1x128xi32, #tpu.memory_space<vmem>> -> memref<128xi32, #tpu.memory_space<vmem>>
    %dma_start3A_83 = arith.constant 0 : i32
    %dma_start3A_84 = arith.constant 0 : i32
    %dma_start3A_85 = tpu.memref_slice %arg5[%dma_start3A_83, %dma_start3A_84] : memref<1000000x64xf32, #tpu.memory_space<hbm>> -> memref<1000000x64xf32, #tpu.memory_space<hbm>>
    tpu.enqueue_indirect_dma source(%dma_start3A_85 : memref<1000000x64xf32, #tpu.memory_space<hbm>>) target(%dma_start3A_79 : memref<128x64xf32, #tpu.memory_space<vmem>>) offsets(%dma_start3A_82 : memref<128xi32, #tpu.memory_space<vmem>>) semaphore(%arg13 : memref<!tpu.dma_semaphore, #tpu.memory_space<semaphore_mem>>)
    %dma_wait3A = arith.constant 0 : i32
    %dma_wait3A_86 = arith.constant 0 : i32
    %dma_wait3A_87 = arith.constant 0 : i32
    %dma_wait3A_88 = tpu.memref_slice %arg10[%dma_wait3A_86, %dma_wait3A_87] : memref<512x64xf32, #tpu.memory_space<vmem>> -> memref<128x64xf32, #tpu.memory_space<vmem>>
    %dma_wait3A_89 = arith.constant 0 : i32
    %dma_wait3A_90 = tpu.memref_slice %arg8[%dma_wait3A, %dma_wait3A_89] : memref<4x128xi32, #tpu.memory_space<vmem>> -> memref<1x128xi32, #tpu.memory_space<vmem>>
    %dma_wait3A_91 = tpu.memref_squeeze %dma_wait3A_90 : memref<1x128xi32, #tpu.memory_space<vmem>> -> memref<128xi32, #tpu.memory_space<vmem>>
    %dma_wait3A_92 = arith.constant 0 : i32
    %dma_wait3A_93 = arith.constant 0 : i32
    %dma_wait3A_94 = tpu.memref_slice %arg4[%dma_wait3A_92, %dma_wait3A_93] : memref<1000000x64xf32, #tpu.memory_space<hbm>> -> memref<1000000x64xf32, #tpu.memory_space<hbm>>
    tpu.wait_indirect_dma semaphore(%arg12 : memref<!tpu.dma_semaphore, #tpu.memory_space<semaphore_mem>>) src(%dma_wait3A_94 : memref<1000000x64xf32, #tpu.memory_space<hbm>>) dst(%dma_wait3A_88 : memref<128x64xf32, #tpu.memory_space<vmem>>)
    %dma_wait3A_95 = arith.constant 0 : i32
    %dma_wait3A_96 = arith.constant 0 : i32
    %dma_wait3A_97 = arith.constant 0 : i32
    %dma_wait3A_98 = tpu.memref_slice %arg11[%dma_wait3A_96, %dma_wait3A_97] : memref<512x64xf32, #tpu.memory_space<vmem>> -> memref<128x64xf32, #tpu.memory_space<vmem>>
    %dma_wait3A_99 = arith.constant 0 : i32
    %dma_wait3A_100 = tpu.memref_slice %arg9[%dma_wait3A_95, %dma_wait3A_99] : memref<4x128xi32, #tpu.memory_space<vmem>> -> memref<1x128xi32, #tpu.memory_space<vmem>>
    %dma_wait3A_101 = tpu.memref_squeeze %dma_wait3A_100 : memref<1x128xi32, #tpu.memory_space<vmem>> -> memref<128xi32, #tpu.memory_space<vmem>>
    %dma_wait3A_102 = arith.constant 0 : i32
    %dma_wait3A_103 = arith.constant 0 : i32
    %dma_wait3A_104 = tpu.memref_slice %arg5[%dma_wait3A_102, %dma_wait3A_103] : memref<1000000x64xf32, #tpu.memory_space<hbm>> -> memref<1000000x64xf32, #tpu.memory_space<hbm>>
    tpu.wait_indirect_dma semaphore(%arg13 : memref<!tpu.dma_semaphore, #tpu.memory_space<semaphore_mem>>) src(%dma_wait3A_104 : memref<1000000x64xf32, #tpu.memory_space<hbm>>) dst(%dma_wait3A_98 : memref<128x64xf32, #tpu.memory_space<vmem>>)
    %dma_wait3A_105 = arith.constant 1 : i32
    %dma_wait3A_106 = arith.constant 128 : i32
    %dma_wait3A_107 = arith.constant 0 : i32
    %dma_wait3A_108 = tpu.memref_slice %arg10[%dma_wait3A_106, %dma_wait3A_107] : memref<512x64xf32, #tpu.memory_space<vmem>> -> memref<128x64xf32, #tpu.memory_space<vmem>>
    %dma_wait3A_109 = arith.constant 0 : i32
    %dma_wait3A_110 = tpu.memref_slice %arg8[%dma_wait3A_105, %dma_wait3A_109] : memref<4x128xi32, #tpu.memory_space<vmem>> -> memref<1x128xi32, #tpu.memory_space<vmem>>
    %dma_wait3A_111 = tpu.memref_squeeze %dma_wait3A_110 : memref<1x128xi32, #tpu.memory_space<vmem>> -> memref<128xi32, #tpu.memory_space<vmem>>
    %dma_wait3A_112 = arith.constant 0 : i32
    %dma_wait3A_113 = arith.constant 0 : i32
    %dma_wait3A_114 = tpu.memref_slice %arg4[%dma_wait3A_112, %dma_wait3A_113] : memref<1000000x64xf32, #tpu.memory_space<hbm>> -> memref<1000000x64xf32, #tpu.memory_space<hbm>>
    tpu.wait_indirect_dma semaphore(%arg12 : memref<!tpu.dma_semaphore, #tpu.memory_space<semaphore_mem>>) src(%dma_wait3A_114 : memref<1000000x64xf32, #tpu.memory_space<hbm>>) dst(%dma_wait3A_108 : memref<128x64xf32, #tpu.memory_space<vmem>>)
    %dma_wait3A_115 = arith.constant 1 : i32
    %dma_wait3A_116 = arith.constant 128 : i32
    %dma_wait3A_117 = arith.constant 0 : i32
    %dma_wait3A_118 = tpu.memref_slice %arg11[%dma_wait3A_116, %dma_wait3A_117] : memref<512x64xf32, #tpu.memory_space<vmem>> -> memref<128x64xf32, #tpu.memory_space<vmem>>
    %dma_wait3A_119 = arith.constant 0 : i32
    %dma_wait3A_120 = tpu.memref_slice %arg9[%dma_wait3A_115, %dma_wait3A_119] : memref<4x128xi32, #tpu.memory_space<vmem>> -> memref<1x128xi32, #tpu.memory_space<vmem>>
    %dma_wait3A_121 = tpu.memref_squeeze %dma_wait3A_120 : memref<1x128xi32, #tpu.memory_space<vmem>> -> memref<128xi32, #tpu.memory_space<vmem>>
    %dma_wait3A_122 = arith.constant 0 : i32
    %dma_wait3A_123 = arith.constant 0 : i32
    %dma_wait3A_124 = tpu.memref_slice %arg5[%dma_wait3A_122, %dma_wait3A_123] : memref<1000000x64xf32, #tpu.memory_space<hbm>> -> memref<1000000x64xf32, #tpu.memory_space<hbm>>
    tpu.wait_indirect_dma semaphore(%arg13 : memref<!tpu.dma_semaphore, #tpu.memory_space<semaphore_mem>>) src(%dma_wait3A_124 : memref<1000000x64xf32, #tpu.memory_space<hbm>>) dst(%dma_wait3A_118 : memref<128x64xf32, #tpu.memory_space<vmem>>)
    %dma_wait3A_125 = arith.constant 2 : i32
    %dma_wait3A_126 = arith.constant 256 : i32
    %dma_wait3A_127 = arith.constant 0 : i32
    %dma_wait3A_128 = tpu.memref_slice %arg10[%dma_wait3A_126, %dma_wait3A_127] : memref<512x64xf32, #tpu.memory_space<vmem>> -> memref<128x64xf32, #tpu.memory_space<vmem>>
    %dma_wait3A_129 = arith.constant 0 : i32
    %dma_wait3A_130 = tpu.memref_slice %arg8[%dma_wait3A_125, %dma_wait3A_129] : memref<4x128xi32, #tpu.memory_space<vmem>> -> memref<1x128xi32, #tpu.memory_space<vmem>>
    %dma_wait3A_131 = tpu.memref_squeeze %dma_wait3A_130 : memref<1x128xi32, #tpu.memory_space<vmem>> -> memref<128xi32, #tpu.memory_space<vmem>>
    %dma_wait3A_132 = arith.constant 0 : i32
    %dma_wait3A_133 = arith.constant 0 : i32
    %dma_wait3A_134 = tpu.memref_slice %arg4[%dma_wait3A_132, %dma_wait3A_133] : memref<1000000x64xf32, #tpu.memory_space<hbm>> -> memref<1000000x64xf32, #tpu.memory_space<hbm>>
    tpu.wait_indirect_dma semaphore(%arg12 : memref<!tpu.dma_semaphore, #tpu.memory_space<semaphore_mem>>) src(%dma_wait3A_134 : memref<1000000x64xf32, #tpu.memory_space<hbm>>) dst(%dma_wait3A_128 : memref<128x64xf32, #tpu.memory_space<vmem>>)
    %dma_wait3A_135 = arith.constant 2 : i32
    %dma_wait3A_136 = arith.constant 256 : i32
    %dma_wait3A_137 = arith.constant 0 : i32
    %dma_wait3A_138 = tpu.memref_slice %arg11[%dma_wait3A_136, %dma_wait3A_137] : memref<512x64xf32, #tpu.memory_space<vmem>> -> memref<128x64xf32, #tpu.memory_space<vmem>>
    %dma_wait3A_139 = arith.constant 0 : i32
    %dma_wait3A_140 = tpu.memref_slice %arg9[%dma_wait3A_135, %dma_wait3A_139] : memref<4x128xi32, #tpu.memory_space<vmem>> -> memref<1x128xi32, #tpu.memory_space<vmem>>
    %dma_wait3A_141 = tpu.memref_squeeze %dma_wait3A_140 : memref<1x128xi32, #tpu.memory_space<vmem>> -> memref<128xi32, #tpu.memory_space<vmem>>
    %dma_wait3A_142 = arith.constant 0 : i32
    %dma_wait3A_143 = arith.constant 0 : i32
    %dma_wait3A_144 = tpu.memref_slice %arg5[%dma_wait3A_142, %dma_wait3A_143] : memref<1000000x64xf32, #tpu.memory_space<hbm>> -> memref<1000000x64xf32, #tpu.memory_space<hbm>>
    tpu.wait_indirect_dma semaphore(%arg13 : memref<!tpu.dma_semaphore, #tpu.memory_space<semaphore_mem>>) src(%dma_wait3A_144 : memref<1000000x64xf32, #tpu.memory_space<hbm>>) dst(%dma_wait3A_138 : memref<128x64xf32, #tpu.memory_space<vmem>>)
    %dma_wait3A_145 = arith.constant 3 : i32
    %dma_wait3A_146 = arith.constant 384 : i32
    %dma_wait3A_147 = arith.constant 0 : i32
    %dma_wait3A_148 = tpu.memref_slice %arg10[%dma_wait3A_146, %dma_wait3A_147] : memref<512x64xf32, #tpu.memory_space<vmem>> -> memref<128x64xf32, #tpu.memory_space<vmem>>
    %dma_wait3A_149 = arith.constant 0 : i32
    %dma_wait3A_150 = tpu.memref_slice %arg8[%dma_wait3A_145, %dma_wait3A_149] : memref<4x128xi32, #tpu.memory_space<vmem>> -> memref<1x128xi32, #tpu.memory_space<vmem>>
    %dma_wait3A_151 = tpu.memref_squeeze %dma_wait3A_150 : memref<1x128xi32, #tpu.memory_space<vmem>> -> memref<128xi32, #tpu.memory_space<vmem>>
    %dma_wait3A_152 = arith.constant 0 : i32
    %dma_wait3A_153 = arith.constant 0 : i32
    %dma_wait3A_154 = tpu.memref_slice %arg4[%dma_wait3A_152, %dma_wait3A_153] : memref<1000000x64xf32, #tpu.memory_space<hbm>> -> memref<1000000x64xf32, #tpu.memory_space<hbm>>
    tpu.wait_indirect_dma semaphore(%arg12 : memref<!tpu.dma_semaphore, #tpu.memory_space<semaphore_mem>>) src(%dma_wait3A_154 : memref<1000000x64xf32, #tpu.memory_space<hbm>>) dst(%dma_wait3A_148 : memref<128x64xf32, #tpu.memory_space<vmem>>)
    %dma_wait3A_155 = arith.constant 3 : i32
    %dma_wait3A_156 = arith.constant 384 : i32
    %dma_wait3A_157 = arith.constant 0 : i32
    %dma_wait3A_158 = tpu.memref_slice %arg11[%dma_wait3A_156, %dma_wait3A_157] : memref<512x64xf32, #tpu.memory_space<vmem>> -> memref<128x64xf32, #tpu.memory_space<vmem>>
    %dma_wait3A_159 = arith.constant 0 : i32
    %dma_wait3A_160 = tpu.memref_slice %arg9[%dma_wait3A_155, %dma_wait3A_159] : memref<4x128xi32, #tpu.memory_space<vmem>> -> memref<1x128xi32, #tpu.memory_space<vmem>>
    %dma_wait3A_161 = tpu.memref_squeeze %dma_wait3A_160 : memref<1x128xi32, #tpu.memory_space<vmem>> -> memref<128xi32, #tpu.memory_space<vmem>>
    %dma_wait3A_162 = arith.constant 0 : i32
    %dma_wait3A_163 = arith.constant 0 : i32
    %dma_wait3A_164 = tpu.memref_slice %arg5[%dma_wait3A_162, %dma_wait3A_163] : memref<1000000x64xf32, #tpu.memory_space<hbm>> -> memref<1000000x64xf32, #tpu.memory_space<hbm>>
    tpu.wait_indirect_dma semaphore(%arg13 : memref<!tpu.dma_semaphore, #tpu.memory_space<semaphore_mem>>) src(%dma_wait3A_164 : memref<1000000x64xf32, #tpu.memory_space<hbm>>) dst(%dma_wait3A_158 : memref<128x64xf32, #tpu.memory_space<vmem>>)
    "tpu.region"() ({
      %run_scoped3A = tpu.sem_alloc : memref<!tpu.dma_semaphore, #tpu.memory_space<semaphore_mem>>
      %dma_start3A_165 = arith.constant 0 : i32
      %dma_start3A_166 = tpu.memref_slice %arg6[%mul3A_2, %dma_start3A_165] : memref<16384x64xf32, #tpu.memory_space<hbm>> -> memref<512x64xf32, #tpu.memory_space<hbm>>
      %dma_start3A_167 = arith.constant 0 : i32
      %dma_start3A_168 = tpu.memref_slice %arg6[%mul3A_2, %dma_start3A_167] : memref<16384x64xf32, #tpu.memory_space<hbm>> -> memref<512x64xf32, #tpu.memory_space<hbm>>
      tpu.enqueue_dma source(%arg10 : memref<512x64xf32, #tpu.memory_space<vmem>>) target(%dma_start3A_168 : memref<512x64xf32, #tpu.memory_space<hbm>>) target_semaphore(%run_scoped3A : memref<!tpu.dma_semaphore, #tpu.memory_space<semaphore_mem>>)
      %dma_wait3A_169 = arith.constant 0 : i32
      %dma_wait3A_170 = tpu.memref_slice %arg6[%mul3A_2, %dma_wait3A_169] : memref<16384x64xf32, #tpu.memory_space<hbm>> -> memref<512x64xf32, #tpu.memory_space<hbm>>
      %dma_wait3A_171 = arith.constant 0 : i32
      %dma_wait3A_172 = tpu.memref_slice %arg6[%mul3A_2, %dma_wait3A_171] : memref<16384x64xf32, #tpu.memory_space<hbm>> -> memref<512x64xf32, #tpu.memory_space<hbm>>
      tpu.wait_dma2 semaphore(%run_scoped3A : memref<!tpu.dma_semaphore, #tpu.memory_space<semaphore_mem>>) src(%arg10 : memref<512x64xf32, #tpu.memory_space<vmem>>) dst(%dma_wait3A_172 : memref<512x64xf32, #tpu.memory_space<hbm>>)
      tpu.yield
    }) : () -> ()
    "tpu.region"() ({
      %run_scoped3A = tpu.sem_alloc : memref<!tpu.dma_semaphore, #tpu.memory_space<semaphore_mem>>
      %dma_start3A_165 = arith.constant 0 : i32
      %dma_start3A_166 = tpu.memref_slice %arg7[%mul3A_2, %dma_start3A_165] : memref<16384x64xf32, #tpu.memory_space<hbm>> -> memref<512x64xf32, #tpu.memory_space<hbm>>
      %dma_start3A_167 = arith.constant 0 : i32
      %dma_start3A_168 = tpu.memref_slice %arg7[%mul3A_2, %dma_start3A_167] : memref<16384x64xf32, #tpu.memory_space<hbm>> -> memref<512x64xf32, #tpu.memory_space<hbm>>
      tpu.enqueue_dma source(%arg11 : memref<512x64xf32, #tpu.memory_space<vmem>>) target(%dma_start3A_168 : memref<512x64xf32, #tpu.memory_space<hbm>>) target_semaphore(%run_scoped3A : memref<!tpu.dma_semaphore, #tpu.memory_space<semaphore_mem>>)
      %dma_wait3A_169 = arith.constant 0 : i32
      %dma_wait3A_170 = tpu.memref_slice %arg7[%mul3A_2, %dma_wait3A_169] : memref<16384x64xf32, #tpu.memory_space<hbm>> -> memref<512x64xf32, #tpu.memory_space<hbm>>
      %dma_wait3A_171 = arith.constant 0 : i32
      %dma_wait3A_172 = tpu.memref_slice %arg7[%mul3A_2, %dma_wait3A_171] : memref<16384x64xf32, #tpu.memory_space<hbm>> -> memref<512x64xf32, #tpu.memory_space<hbm>>
      tpu.wait_dma2 semaphore(%run_scoped3A : memref<!tpu.dma_semaphore, #tpu.memory_space<semaphore_mem>>) src(%arg11 : memref<512x64xf32, #tpu.memory_space<vmem>>) dst(%dma_wait3A_172 : memref<512x64xf32, #tpu.memory_space<hbm>>)
      tpu.yield
    }) : () -> ()
    return
  }
}

module attributes {stable_mosaic.version = 14 : i64} {
  func.func @_ffnn_body(%arg0: i32, %arg1: memref<2048x64xf32, #tpu.memory_space<vmem>>, %arg2: memref<2048x64xf32, #tpu.memory_space<vmem>>, %arg3: memref<128x64xf32, #tpu.memory_space<vmem>>, %arg4: memref<1x64xf32, #tpu.memory_space<vmem>>, %arg5: memref<64x64xf32, #tpu.memory_space<vmem>>, %arg6: memref<1x64xf32, #tpu.memory_space<vmem>>, %arg7: memref<64x1xf32, #tpu.memory_space<vmem>>, %arg8: memref<1x1xf32, #tpu.memory_space<vmem>>, %arg9: memref<2048x1xf32, #tpu.memory_space<vmem>>) attributes {dimension_semantics = [#tpu.dimension_semantics<arbitrary>], iteration_bounds = array<i64: 8>, scalar_prefetch = 0 : i64, scratch_operands = 0 : i64, tpu.core_type = #tpu.core_type<tc>, window_params = [{transform_indices = @transform_0, window_bounds = array<i64: 2048, 64>}, {transform_indices = @transform_1, window_bounds = array<i64: 2048, 64>}, {pipeline_mode = #tpu.pipeline_mode<synchronous>, transform_indices = @transform_2, window_bounds = array<i64: 128, 64>}, {pipeline_mode = #tpu.pipeline_mode<synchronous>, transform_indices = @transform_3, window_bounds = array<i64: 1, 64>}, {pipeline_mode = #tpu.pipeline_mode<synchronous>, transform_indices = @transform_4, window_bounds = array<i64: 64, 64>}, {pipeline_mode = #tpu.pipeline_mode<synchronous>, transform_indices = @transform_5, window_bounds = array<i64: 1, 64>}, {pipeline_mode = #tpu.pipeline_mode<synchronous>, transform_indices = @transform_6, window_bounds = array<i64: 64, 1>}, {pipeline_mode = #tpu.pipeline_mode<synchronous>, transform_indices = @transform_7, window_bounds = array<i64: 1, 1>}, {transform_indices = @transform_8, window_bounds = array<i64: 2048, 1>}]} {
    %get3A = arith.constant 0 : index
    %get3A_0 = arith.constant 0 : index
    %get3A_1 = vector.load %arg3[%get3A, %get3A_0] : memref<128x64xf32, #tpu.memory_space<vmem>>, vector<128x64xf32>
    %get3A_2 = arith.constant 0 : index
    %get3A_3 = arith.constant 0 : index
    %get3A_4 = vector.load %arg1[%get3A_2, %get3A_3] : memref<2048x64xf32, #tpu.memory_space<vmem>>, vector<2048x64xf32>
    %slice3A = vector.extract_strided_slice %get3A_1 {offsets = [0, 0], sizes = [64, 64], strides = [1, 1]} : vector<128x64xf32> to vector<64x64xf32>
    %dot_general3A = arith.constant dense<0.000000e+00> : vector<2048x64xf32>
    %dot_general3A_5 = tpu.matmul %get3A_4, %slice3A, %dot_general3A {dimension_numbers = #tpu.dot_dimension_numbers<[1], [0], [0], [1], [0, 0, 1, 1], [], []>, transpose_lhs_hint = false} : vector<2048x64xf32>, vector<64x64xf32>, vector<2048x64xf32> -> vector<2048x64xf32>
    %get3A_6 = arith.constant 0 : index
    %get3A_7 = arith.constant 0 : index
    %get3A_8 = vector.load %arg2[%get3A_6, %get3A_7] : memref<2048x64xf32, #tpu.memory_space<vmem>>, vector<2048x64xf32>
    %slice3A_9 = vector.extract_strided_slice %get3A_1 {offsets = [64, 0], sizes = [64, 64], strides = [1, 1]} : vector<128x64xf32> to vector<64x64xf32>
    %dot_general3A_10 = arith.constant dense<0.000000e+00> : vector<2048x64xf32>
    %dot_general3A_11 = tpu.matmul %get3A_8, %slice3A_9, %dot_general3A_10 {dimension_numbers = #tpu.dot_dimension_numbers<[1], [0], [0], [1], [0, 0, 1, 1], [], []>, transpose_lhs_hint = false} : vector<2048x64xf32>, vector<64x64xf32>, vector<2048x64xf32> -> vector<2048x64xf32>
    %add3A = arith.addf %dot_general3A_5, %dot_general3A_11 : vector<2048x64xf32>
    %get3A_12 = arith.constant 0 : index
    %get3A_13 = arith.constant 0 : index
    %get3A_14 = vector.load %arg4[%get3A_12, %get3A_13] : memref<1x64xf32, #tpu.memory_space<vmem>>, vector<1x64xf32>
    %add3A_15 = vector.broadcast %get3A_14 : vector<1x64xf32> to vector<2048x64xf32>
    %add3A_16 = arith.addf %add3A, %add3A_15 : vector<2048x64xf32>
    %get3A_17 = arith.constant 0 : index
    %get3A_18 = arith.constant 0 : index
    %get3A_19 = vector.load %arg5[%get3A_17, %get3A_18] : memref<64x64xf32, #tpu.memory_space<vmem>>, vector<64x64xf32>
    %dot_general3A_20 = arith.constant dense<0.000000e+00> : vector<2048x64xf32>
    %dot_general3A_21 = tpu.matmul %add3A_16, %get3A_19, %dot_general3A_20 {dimension_numbers = #tpu.dot_dimension_numbers<[1], [0], [0], [1], [0, 0, 1, 1], [], []>, transpose_lhs_hint = false} : vector<2048x64xf32>, vector<64x64xf32>, vector<2048x64xf32> -> vector<2048x64xf32>
    %get3A_22 = arith.constant 0 : index
    %get3A_23 = arith.constant 0 : index
    %get3A_24 = vector.load %arg6[%get3A_22, %get3A_23] : memref<1x64xf32, #tpu.memory_space<vmem>>, vector<1x64xf32>
    %add3A_25 = vector.broadcast %get3A_24 : vector<1x64xf32> to vector<2048x64xf32>
    %add3A_26 = arith.addf %dot_general3A_21, %add3A_25 : vector<2048x64xf32>
    %get3A_27 = arith.constant 0 : index
    %get3A_28 = arith.constant 0 : index
    %get3A_29 = vector.load %arg7[%get3A_27, %get3A_28] : memref<64x1xf32, #tpu.memory_space<vmem>>, vector<64x1xf32>
    %dot_general3A_30 = arith.constant dense<0.000000e+00> : vector<2048x1xf32>
    %dot_general3A_31 = tpu.matmul %add3A_26, %get3A_29, %dot_general3A_30 {dimension_numbers = #tpu.dot_dimension_numbers<[1], [0], [0], [1], [0, 0, 1, 1], [], []>, transpose_lhs_hint = false} : vector<2048x64xf32>, vector<64x1xf32>, vector<2048x1xf32> -> vector<2048x1xf32>
    %get3A_32 = arith.constant 0 : index
    %get3A_33 = arith.constant 0 : index
    %get3A_34 = vector.load %arg8[%get3A_32, %get3A_33] : memref<1x1xf32, #tpu.memory_space<vmem>>, vector<1x1xf32>
    %add3A_35 = vector.broadcast %get3A_34 : vector<1x1xf32> to vector<2048x1xf32>
    %add3A_36 = arith.addf %dot_general3A_31, %add3A_35 : vector<2048x1xf32>
    %logistic3A = arith.negf %add3A_36 : vector<2048x1xf32>
    %logistic3A_37 = math.exp %logistic3A : vector<2048x1xf32>
    %logistic3A_38 = arith.constant 1.000000e+00 : f32
    %logistic3A_39 = vector.broadcast %logistic3A_38 : f32 to vector<2048x1xf32>
    %logistic3A_40 = arith.addf %logistic3A_39, %logistic3A_37 : vector<2048x1xf32>
    %logistic3A_41 = arith.divf %logistic3A_39, %logistic3A_40 : vector<2048x1xf32>
    %swap3A = arith.constant 0 : index
    %swap3A_42 = arith.constant 0 : index
    %swap3A_43 = vector.load %arg9[%swap3A, %swap3A_42] : memref<2048x1xf32, #tpu.memory_space<vmem>>, vector<2048x1xf32>
    tpu.vector_store %arg9[%swap3A, %swap3A_42], %logistic3A_41 {strides = array<i32>} : memref<2048x1xf32, #tpu.memory_space<vmem>>, vector<2048x1xf32>,
    return
  }
  func.func @transform_0(%arg0: i32) -> (i32, i32) {
    %c0_i32 = arith.constant 0 : i32
    %c0_i32_0 = arith.constant 0 : i32
    return %arg0, %c0_i32 : i32, i32
  }
  func.func @transform_1(%arg0: i32) -> (i32, i32) {
    %c0_i32 = arith.constant 0 : i32
    %c0_i32_0 = arith.constant 0 : i32
    return %arg0, %c0_i32 : i32, i32
  }
  func.func @transform_2(%arg0: i32) -> (i32, i32) {
    %c0_i32 = arith.constant 0 : i32
    %c0_i32_0 = arith.constant 0 : i32
    %c0_i32_1 = arith.constant 0 : i32
    return %c0_i32, %c0_i32_0 : i32, i32
  }
  func.func @transform_3(%arg0: i32) -> (i32, i32) {
    %c0_i32 = arith.constant 0 : i32
    %c0_i32_0 = arith.constant 0 : i32
    %c0_i32_1 = arith.constant 0 : i32
    return %c0_i32, %c0_i32_0 : i32, i32
  }
  func.func @transform_4(%arg0: i32) -> (i32, i32) {
    %c0_i32 = arith.constant 0 : i32
    %c0_i32_0 = arith.constant 0 : i32
    %c0_i32_1 = arith.constant 0 : i32
    return %c0_i32, %c0_i32_0 : i32, i32
  }
  func.func @transform_5(%arg0: i32) -> (i32, i32) {
    %c0_i32 = arith.constant 0 : i32
    %c0_i32_0 = arith.constant 0 : i32
    %c0_i32_1 = arith.constant 0 : i32
    return %c0_i32, %c0_i32_0 : i32, i32
  }
  func.func @transform_6(%arg0: i32) -> (i32, i32) {
    %c0_i32 = arith.constant 0 : i32
    %c0_i32_0 = arith.constant 0 : i32
    %c0_i32_1 = arith.constant 0 : i32
    return %c0_i32, %c0_i32_0 : i32, i32
  }
  func.func @transform_7(%arg0: i32) -> (i32, i32) {
    %c0_i32 = arith.constant 0 : i32
    %c0_i32_0 = arith.constant 0 : i32
    %c0_i32_1 = arith.constant 0 : i32
    return %c0_i32, %c0_i32_0 : i32, i32
  }
  func.func @transform_8(%arg0: i32) -> (i32, i32) {
    %c0_i32 = arith.constant 0 : i32
    %c0_i32_0 = arith.constant 0 : i32
    return %arg0, %c0_i32 : i32, i32
  }
}

</mosaic_0001>

<sc_bundles>
// kernel: kernel.4.cloned.1.call-start
scs
__scs_entry_jumppad:
0x0: {  	(pc) =	sbr.rel $0x88, $3  }
0x1: {  	(tag) =	ssettag $0x0;
	lr =	simm.s32 $0x1  }
0x2: {  	[smem:$0x3F98] =	sst lr;
	_ =	strace $0xD0000000  }
0x3: {  	_ = 	snop  }
0x4: {  	_ = 	snop  }
0x5: {  	_ = 	snop  }
0x6: {  	_ = 	snop  }
0x7: {  	_ = 	snop  }
__scs_overlays_trampoline_lowered:
0x8: {  	[smem:$0x3FA7] =	sst s0  }
0x9: {  	[smem:$0x3FA8] =	sst s1  }
0xa: {  	[smem:$0x3FA9] =	sst s2  }
0xb: {  	[smem:$0x3FAA] =	sst s3  }
0xc: {  	[smem:$0x3FAB] =	sst s4  }
0xd: {  	[smem:$0x3FAC] =	sst s5  }
0xe: {  	[smem:$0x3FAD] =	sst s6  }
0xf: {  	[smem:$0x3FAE] =	sst s7  }
0x10: {  	[smem:$0x3FAF] =	sst s8  }
0x11: {  	[smem:$0x3FB0] =	sst s9;
	s0 =	simm.s32 @!p0 $0x0  }
0x12: {  	s1 =	sld [smem:$0x3F96];
	s0 =	simm.s32 @p0 $0x1  }
0x13: {  	[smem:$0x3FB1] =	sst s0;
	s0 =	simm.s32 @!p1 $0x0  }
0x14: {  	s2 =	sld [smem:$0x3F95];
	s0 =	simm.s32 @p1 $0x1  }
0x15: {  	[smem:$0x3FB2] =	sst s0;
	s0 =	simm.s32 @!p2 $0x0  }
0x16: {  	s3 =	sld [smem:$0x3FDB];
	s0 =	simm.s32 @p2 $0x1  }
0x17: {  	s4 =	simm.s32 $0x1BF5;
	[smem:$0x3FB4] =	sst s0  }
0x18: {  	s0 =	sld [smem:$0x3F97];
	_ =	swait.ge [sflag:s4], $0x0  }
0x19: {  	s7 =	sld [smem:$0x3F98]  }
0x1a: {  	s8 =	sadd.s32 $0xFFFFE003, lr  }
0x1b: {  	s9 =	sadd.s32 $0xFFFFFEF7, lr;
	s5 =	simm.s32 $0xFFFFFFFF;
	p2 =	slt.u32 s8, $0xFFFFF086  }
0x1c: {  	p1 =	slt.u32 s9, $0xF7A;
	s5 =	simm.s32 @!p2 $0x0  }
0x1d: {  	s5 =	simm.s32 @p1 $0x1;
	p0 =	seq.s32 s7, s2  }
0x1e: {  	s7 =	smul.u32 @!p0 $0xF7A, s2;
	p2 =	seq.s32 @!p0 s5, $0x0  }
0x1f: {  	s9 =	smul.u32 $0xF7A, s1;
	s8 =	simm.s32 @!p0 $0x1BF5;
	p2 =	por !p2, p0  }
0x20: {  	[sflag:s8] =	ssyncset.s32 @!p0 $0xFFFFF086;
	s6 =	sadd.s32 @!p0 s3, s7;
	s7 =	simm.s32 @!p0 $0x108  }
0x21: {  	s3 =	sadd.s32 s3, s9;
	s6 =	sadd.s32 @!p0 $0x88, s6;
	s7 =	simm.s32 @p2 $0x1082  }
0x22: {  	[simem:s7], [sflag:s8] =	dma.local @!p0 [hbm:s6], $0xF7A  }
0x23: {  	s9 =	sor.u32 $0xD0000000, s2;
	s6 =	simm.s32 $0x108;
	_ =	swait.ge @!p0 [sflag:s8], $0x0  }
0x24: {  	s3 =	sadd.s32 $0x88, s3;
	s6 =	simm.s32 @!p1 $0x1082;
	[sflag:s4] =	ssyncset.s32 $0xFFFFF086  }
0x25: {  	[simem:s6], [sflag:s4] =	dma.local [hbm:s3], $0xF7A  }
0x26: {  	[smem:$0x3F98] =	sst s1;
	(tag) =	ssettag s2;
	_ =	strace s9  }
0x27: {  	s1 =	sld [smem:$0x3FA8]  }
0x28: {  	s2 =	sld [smem:$0x3FA9]  }
0x29: {  	s4 =	sld [smem:$0x3FAB]  }
0x2a: {  	p0 =	seq.s32 s5, $0x0;
	s5 =	sld [smem:$0x3FAC]  }
0x2b: {  	s6 =	sld [smem:$0x3FAD]  }
0x2c: {  	s7 =	sld [smem:$0x3FAE]  }
0x2d: {  	s3 =	simm.s32 $0x108;
	s8 =	sld [smem:$0x3FAF]  }
0x2e: {  	s3 =	simm.s32 @!p0 $0x1082;
	s9 =	sld [smem:$0x3FB0]  }
0x2f: {  	lr =	sadd.s32 s0, s3;
	s0 =	sld [smem:$0x3FA7]  }
0x30: {  	s3 =	sld [smem:$0x3FAA]  }
0x31: {  	[smem:$0x3FB3] =	sst s10  }
0x32: {  	s10 =	sld [smem:$0x3FB1];
	_ =	sdelay $0x3  }
0x33: {  	p0 =	seq.s32 s10, $0x1;
	s10 =	sld [smem:$0x3FB3];
	_ =	sdelay $0x3  }
0x34: {  	[smem:$0x3FB3] =	sst s10  }
0x35: {  	s10 =	sld [smem:$0x3FB2];
	_ =	sdelay $0x3  }
0x36: {  	p1 =	seq.s32 s10, $0x1;
	s10 =	sld [smem:$0x3FB3];
	_ =	sdelay $0x3  }
0x37: {  	[smem:$0x3FB3] =	sst s10  }
0x38: {  	s10 =	sld [smem:$0x3FB4]  }
0x39: {  	_ = 	snop;
	(pc) =	sbr.ind lr, $3  }
0x3a: {  	_ = 	snop  }
0x3b: {  	_ = 	snop  }
0x3c: {  	p2 =	seq.s32 s10, $0x1;
	s10 =	sld [smem:$0x3FB3]  }
0x3d: {  	_ =	shalt  }
0x3e: {  	_ =	shalt  }
0x3f: {  	_ =	shalt  }
0x40: {  	_ =	shalt  }
0x41: {  	_ =	shalt  }
0x42: {  	_ =	shalt  }
0x43: {  	_ =	shalt  }
0x44: {  	_ =	shalt  }
0x45: {  	_ =	shalt  }
0x46: {  	_ =	shalt  }
0x47: {  	_ =	shalt  }
0x48: {  	_ =	shalt  }
0x49: {  	_ =	shalt  }
0x4a: {  	_ =	shalt  }
0x4b: {  	_ =	shalt  }
0x4c: {  	_ =	shalt  }
0x4d: {  	_ =	shalt  }
0x4e: {  	_ =	shalt  }
0x4f: {  	_ =	shalt  }
0x50: {  	_ =	shalt  }
0x51: {  	_ =	shalt  }
0x52: {  	_ =	shalt  }
0x53: {  	_ =	shalt  }
0x54: {  	_ =	shalt  }
0x55: {  	_ =	shalt  }
0x56: {  	_ =	shalt  }
0x57: {  	_ =	shalt  }
0x58: {  	_ =	shalt  }
0x59: {  	_ =	shalt  }
0x5a: {  	_ =	shalt  }
0x5b: {  	_ =	shalt  }
0x5c: {  	_ =	shalt  }
0x5d: {  	_ =	shalt  }
0x5e: {  	_ =	shalt  }
0x5f: {  	_ =	shalt  }
0x60: {  	_ =	shalt  }
0x61: {  	_ =	shalt  }
0x62: {  	_ =	shalt  }
0x63: {  	_ =	shalt  }
0x64: {  	_ =	shalt  }
0x65: {  	_ =	shalt  }
0x66: {  	_ =	shalt  }
0x67: {  	_ =	shalt  }
0x68: {  	_ =	shalt  }
0x69: {  	_ =	shalt  }
0x6a: {  	_ =	shalt  }
0x6b: {  	_ =	shalt  }
0x6c: {  	_ =	shalt  }
0x6d: {  	_ =	shalt  }
0x6e: {  	_ =	shalt  }
0x6f: {  	_ =	shalt  }
0x70: {  	_ =	shalt  }
0x71: {  	_ =	shalt  }
0x72: {  	_ =	shalt  }
0x73: {  	_ =	shalt  }
0x74: {  	_ =	shalt  }
0x75: {  	_ =	shalt  }
0x76: {  	_ =	shalt  }
0x77: {  	_ =	shalt  }
0x78: {  	_ =	shalt  }
0x79: {  	_ =	shalt  }
0x7a: {  	_ =	shalt  }
0x7b: {  	_ =	shalt  }
0x7c: {  	_ =	shalt  }
0x7d: {  	_ =	shalt  }
0x7e: {  	_ =	shalt  }
0x7f: {  	_ =	shalt  }
0x80: {  	_ =	shalt  }
0x81: {  	_ =	shalt  }
0x82: {  	_ =	shalt  }
0x83: {  	_ =	shalt  }
0x84: {  	_ =	shalt  }
0x85: {  	_ =	shalt  }
0x86: {  	_ =	shalt  }
0x87: {  	_ =	shalt  }
.Lfunc_end0:
.L_simem_size_0:
called_computation_lowered:
.L_overlay_start_0:
0x88: {  	s2 =	sld [smem:$0x3FD9]  }
0x89: {  	s3 =	sld [smem:$0x3FFE];
	_ =	sdelay $0x1  }
0x8a: {  	s1 =	srdreg.scid  }
0x8b: {  	s0 =	sand.u32 $0x1, s1  }
0x8c: {  	s17 =	sshll.u32 s0, $0xA;
	s2 =	sadd.s32 s3, s2  }
0x8d: {  	s2 =	sadd.s32 s2, s17  }
0x8e: {  	[smem:$0x3FBF] =	sst s2  }
0x8f: {  	_ = 	snop  }
0x90: {  	s2 =	sld [smem:$0x3FD0];
	(tm) =	ssettm $0x1  }
0x91: {  	s18 =	sld [smem:$0x3FFB];
	_ =	sdelay $0x3  }
0x92: {  	_ =	strace s18  }
0x93: {  	s3 =	sld [smem:$0x3FFC];
	_ =	sdelay $0x3  }
0x94: {  	_ =	strace s3  }
0x95: {  	s3 =	sld [smem:$0x3FFD];
	_ =	sdelay $0x3  }
0x96: {  	_ =	strace s3  }
0x97: {  	_ =	strace $0x8FFFFFFF  }
0x98: {  	s19 =	sld [smem:$0x3FDB];
	_ =	sdelay $0x1  }
0x99: {  	s4 =	simm.s32 $_scs_section_size  }
0x9a: {  	s5 =	simm.s32 $_size__tile_overlayer_lowered;
	s6 =	simm.s32 $_tile_overlayer_lowered  }
0x9b: {  	s22 =	simm.s32 $0x1BFF;
	s21 =	sshll.u32 s6, $0x1;
	s3 =	sadd.s32 s4, s19  }
0x9c: {  	s7 =	simm.s32 $0x0;
	s20 =	sshll.u32 s5, $0x1;
	s5 =	sadd.s32 s21, s3  }
0x9d: {  	[timem:s7], [sflag:s22] =	dma.local [hbm:s5], s20  }
0x9e: {  	_ =	swait.ge [sflag:s22], s20  }
0x9f: {  	s4 =	ssub.s32 $0x0, s20;
	[sflag:s22] =	ssyncset.done $0x0  }
0xa0: {  	[sflag:s22] =	ssyncadd.s32 s4;
	_ =	sdelay $0x1  }
0xa1: {  	s23 =	simm.s32 $0x1B8B  }
0xa2: {  	_ =	swait.ge [sflag:s23], $0x1  }
0xa3: {  	[sflag:s23] =	ssyncset.done $0x0  }
0xa4: {  	s25 =	simm.s32 $0x1B8E;
	s24 =	sld [smem:$0x3FFE];
	[sflag:s23] =	ssyncadd.s32 $0xFFFFFFFF  }
0xa5: {  	s26 =	simm.s32 $execute0_lowered;
	[smem:$0x3FD2] =	sst s25  }
0xa6: {  	s5 =	sshll.u32 s26, $0x1;
	_ =	strace $0x80000046;
	[dreg:$0x1] =	wrdreg $0xFFFFFFFF  }
0xa7: {  	s28 =	simm.s32 $_size_execute0_lowered;
	s3 =	sadd.s32 s3, s5;
	[dreg:$0x0] =	wrdreg $0x0  }
0xa8: {  	s5 =	sshll.u32 s28, $0x1;
	[dreg:$0x2] =	wrdreg s3  }
0xa9: {  	[dreg:$0x3] =	wrdreg s5  }
0xaa: {  	[dreg:$0x4] =	wrdreg $0xC0  }
0xab: {  	_ =	task [dreg:s7], $0x5FFFF  }
0xac: {  	[dreg:$0x1] =	wrdreg $0xFFFFFFFF  }
0xad: {  	[dreg:$0x0] =	wrdreg $0x60  }
0xae: {  	[dreg:$0x2] =	wrdreg s24  }
0xaf: {  	[dreg:$0x3] =	wrdreg s2  }
0xb0: {  	[dreg:$0x4] =	wrdreg $0x9  }
0xb1: {  	_ =	task.clear_ibuf [dreg:s7], $0x5FFFF;
	_ =	strace $0x90000046  }
0xb2: {  	s29 =	simm.s32 $0x9;
	_ =	strace $0x80000048  }
0xb3: {  	_ =	swait.ge [sflag:s29], $0x1  }
0xb4: {  	[sflag:s29] =	ssyncadd.s32 $0xFFFFFFFF  }
0xb5: {  	_ =	strace $0x90000048  }
0xb6: {  	_ =	sfence  }
0xb7: {  	s30 =	sld [smem:$0x0];
	_ =	sdelay $0x2  }
0xb8: {  	s31 =	sshll.u32 s1, $0xD;
	s1 =	sshrl.u32 s1, $0x2  }
0xb9: {  	s3 =	sand.u32 $0x4000, s31;
	s1 =	sadd.s32 s1, s30  }
0xba: {  	s0 =	sor.u32 s3, s0;
	s1 =	sshll.u32 s1, $0x11  }
0xbb: {  	s0 =	sor.u32 s1, s0  }
0xbc: {  	s0 =	sadd.s32 $0x8F2B, s0  }
0xbd: {  	[sflag:s0] =	ssyncadd.remote.s32 $0x1  }
0xbe: {  	_ =	sfence.sel $0xFFFF  }
0xbf: {  	[dreg:$0x0] =	wrdreg $0xFFFFFFFF;
	(pc) =	sbr.abs _section_cstart, $3  }
0xc0: {  	[dreg:$0x1] =	wrdreg $0xFFFFFFFF  }
0xc1: {  	_ =	task.clear_ibuf [dreg:s7], $0x2FFFF;
	_ =	strace $0x9FFFFFFF  }
0xc2: {  	(tm) =	ssettm $0x7FFFFFFF  }
0xc3: {  	_ =	shalt  }
tec
execute0_lowered:
.L_overlay_start_1:
0x0: {  	(tag) =	ssettag $0x1  }
0x1: {  	s1 =	srdreg.scid;
	s0 =	stileid.u32  }
0x2: {  	s26 =	rddreg [dreg:$0x0];
	s25 =	sand.u32 $0x1, s1;
	s31 =	sshll.u32 s0, $0x1  }
0x3: {  	s5 =	rddreg [dreg:$0x1];
	s28 =	sor.u32 s25, s31  }
0x4: {  	s2 =	simm.s32 $0x0;
	s1 =	rddreg [dreg:$0x2];
	s6 =	sshll.u32 s28, $0x6  }
0x5: {  	[smem:$0x7FF] =	sst s2;
	s3 =	sadd.s32 s6, s26  }
0x6: {  	_ =	strace $0x80000047;
	s4 =	sadd.s32 $0x1400, s3;
	s3 =	simm.s32 $0x3  }
0x7: {  	[tilespmem:s2], [sflag:$0x3] =	stream.linear.gather [hbm4b:s4+s2], $0x200, $0x38;
	[tilespmem:$0x10400] =	vst v63  }
0x8: {  	_ =	swait.ge [sflag:s3], $0x200  }
0x9: {  	[sflag:s3] =	ssyncset.done $0x0  }
0xa: {  	s5 =	sadd.s32 s5, s6;
	s6 =	simm.s32 $0x200;
	[sflag:s3] =	ssyncadd.s32 $0xFFFFFE00  }
0xb: {  	[tilespmem:s6], [sflag:$0x3] =	stream.linear.gather [hbm4b:s5+s2], $0x200, $0x38;
	[tilespmem:$0x10400] =	vst v63  }
0xc: {  	_ =	swait.ge [sflag:s3], $0x200  }
0xd: {  	s8 =	simm.s32 $0x80;
	[sflag:s3] =	ssyncset.done $0x0  }
0xe: {  	s9 =	simm.s32 $0x400;
	s7 =	sadd.s32 $0x16E5200, s26;
	[sflag:s3] =	ssyncadd.s32 $0xFFFFFE00  }
0xf: {  	[tilespmem:s9], [sflag:$0x1] =	stream.indirect.gather [hbm4b:s7+s8], $0x40, s2, s8, $0xb8;
	[tilespmem:$0x10400] =	vst v63  }
0x10: {  	s11 =	simm.s32 $0x8400;
	s10 =	sadd.s32 $0xF44000, s26  }
0x11: {  	[tilespmem:s11], [sflag:$0x2] =	stream.indirect.gather [hbm4b:s10+s8], $0x40, s6, s8, $0xb8;
	[tilespmem:$0x10400] =	vst v63  }
0x12: {  	s12 =	simm.s32 $0x2400  }
0x13: {  	[tilespmem:s12], [sflag:$0x1] =	stream.indirect.gather [hbm4b:s7+s8], $0x40, s8, s8, $0xb8;
	[tilespmem:$0x10400] =	vst v63  }
0x14: {  	s13 =	simm.s32 $0x280;
	s14 =	simm.s32 $0xA400  }
0x15: {  	[tilespmem:s14], [sflag:$0x2] =	stream.indirect.gather [hbm4b:s10+s8], $0x40, s13, s8, $0xb8;
	[tilespmem:$0x10400] =	vst v63  }
0x16: {  	s15 =	simm.s32 $0x100;
	s16 =	simm.s32 $0x4400  }
0x17: {  	[tilespmem:s16], [sflag:$0x1] =	stream.indirect.gather [hbm4b:s7+s8], $0x40, s15, s8, $0xb8;
	[tilespmem:$0x10400] =	vst v63  }
0x18: {  	s17 =	simm.s32 $0x300;
	s18 =	simm.s32 $0xC400  }
0x19: {  	[tilespmem:s18], [sflag:$0x2] =	stream.indirect.gather [hbm4b:s10+s8], $0x40, s17, s8, $0xb8;
	[tilespmem:$0x10400] =	vst v63  }
0x1a: {  	s19 =	simm.s32 $0x180;
	s20 =	simm.s32 $0x6400  }
0x1b: {  	[tilespmem:s20], [sflag:$0x1] =	stream.indirect.gather [hbm4b:s7+s8], $0x40, s19, s8, $0xb8;
	[tilespmem:$0x10400] =	vst v63  }
0x1c: {  	s21 =	simm.s32 $0x380;
	s22 =	simm.s32 $0xE400;
	s23 =	simm.s32 $0x1  }
0x1d: {  	[tilespmem:s22], [sflag:$0x2] =	stream.indirect.gather [hbm4b:s10+s8], $0x40, s21, s8, $0xb8;
	[tilespmem:$0x10400] =	vst v63  }
0x1e: {  	_ =	swait.ge [sflag:s23], $0x2000  }
0x1f: {  	[sflag:s23] =	ssyncset.done $0x0  }
0x20: {  	s24 =	simm.s32 $0x2;
	[sflag:s23] =	ssyncadd.s32 $0xFFFFE000  }
0x21: {  	_ =	swait.ge [sflag:s24], $0x2000  }
0x22: {  	[sflag:s24] =	ssyncset.done $0x0  }
0x23: {  	[sflag:s24] =	ssyncadd.s32 $0xFFFFE000  }
0x24: {  	_ =	swait.ge [sflag:s23], $0x2000  }
0x25: {  	[sflag:s23] =	ssyncset.done $0x0  }
0x26: {  	[sflag:s23] =	ssyncadd.s32 $0xFFFFE000  }
0x27: {  	_ =	swait.ge [sflag:s24], $0x2000  }
0x28: {  	[sflag:s24] =	ssyncset.done $0x0  }
0x29: {  	[sflag:s24] =	ssyncadd.s32 $0xFFFFE000  }
0x2a: {  	_ =	swait.ge [sflag:s23], $0x2000  }
0x2b: {  	[sflag:s23] =	ssyncset.done $0x0  }
0x2c: {  	[sflag:s23] =	ssyncadd.s32 $0xFFFFE000  }
0x2d: {  	_ =	swait.ge [sflag:s24], $0x2000  }
0x2e: {  	[sflag:s24] =	ssyncset.done $0x0  }
0x2f: {  	[sflag:s24] =	ssyncadd.s32 $0xFFFFE000  }
0x30: {  	_ =	swait.ge [sflag:s23], $0x2000  }
0x31: {  	s28 =	sshll.u32 s28, $0xC;
	[sflag:s23] =	ssyncset.done $0x0  }
0x32: {  	s26 =	sadd.s32 s28, s26;
	s28 =	ssub.s32 $0x2, s25;
	[sflag:s23] =	ssyncadd.s32 $0xFFFFE000  }
0x33: {  	s29 =	sshrl.u32 s28, $0x1;
	_ =	swait.ge [sflag:s24], $0x2000  }
0x34: {  	s28 =	ssub.s32 s28, s29;
	[sflag:s24] =	ssyncset.done $0x0  }
0x35: {  	s25 =	sadd.s32 $0x21C00, s26;
	s28 =	smax.u32 s28, $0x1;
	[sflag:s24] =	ssyncadd.s32 $0xFFFFE000  }
0x36: {  	[hbm4b:s25+s2] =	stream.linear.scatter [tilespmem:s9], [sflag:$0x3], $0x8000, $0x38;
	[tilespmem:$0x10400] =	vst v63  }
0x37: {  	p0 =	sne.s32 s28, $0x1;
	_ =	swait.ge [sflag:s3], $0x8000  }
.Ltmp0:
0x38: {  	[sflag:s3] =	ssyncset.done $0x0;
	(pc) =	sbr.rel @!p0 .LBB2_2-.Ltmp0, $4  }
0x39: {  	s26 =	sadd.s32 $0x1C00, s26;
	[sflag:s3] =	ssyncadd.s32 $0xFFFF8000  }
0x3a: {  	[hbm4b:s26+s2] =	stream.linear.scatter [tilespmem:s11], [sflag:$0x3], $0x8000, $0x38;
	[tilespmem:$0x10400] =	vst v63  }
0x3b: {  	_ =	swait.ge [sflag:s3], $0x8000  }
0x3c: {  	s28 =	sadd.s32 $0xFFFFFFFF, s28;
	[sflag:s3] =	ssyncset.done $0x0  }
.LBB2_1:
0x3d: {  	p0 =	sne.s32 s28, $0x1;
	s28 =	sadd.s32 $0xFFFFFFFF, s28;
	[sflag:s3] =	ssyncadd.s32 $0xFFFF8000  }
0x3e: {  	[tilespmem:s2], [sflag:$0x3] =	stream.linear.gather [hbm4b:s4+s2], $0x200, $0x38;
	[tilespmem:$0x10400] =	vst v63  }
0x3f: {  	_ =	swait.ge [sflag:s3], $0x200  }
0x40: {  	[sflag:s3] =	ssyncset.done $0x0  }
0x41: {  	[sflag:s3] =	ssyncadd.s32 $0xFFFFFE00  }
0x42: {  	[tilespmem:s6], [sflag:$0x3] =	stream.linear.gather [hbm4b:s5+s2], $0x200, $0x38;
	[tilespmem:$0x10400] =	vst v63  }
0x43: {  	_ =	swait.ge [sflag:s3], $0x200  }
0x44: {  	[sflag:s3] =	ssyncset.done $0x0  }
0x45: {  	[sflag:s3] =	ssyncadd.s32 $0xFFFFFE00  }
0x46: {  	[tilespmem:s9], [sflag:$0x1] =	stream.indirect.gather [hbm4b:s7+s8], $0x40, s2, s8, $0xb8;
	[tilespmem:$0x10400] =	vst v63  }
0x47: {  	_ = 	snop  }
0x48: {  	[tilespmem:s11], [sflag:$0x2] =	stream.indirect.gather [hbm4b:s10+s8], $0x40, s6, s8, $0xb8;
	[tilespmem:$0x10400] =	vst v63  }
0x49: {  	_ = 	snop  }
0x4a: {  	[tilespmem:s12], [sflag:$0x1] =	stream.indirect.gather [hbm4b:s7+s8], $0x40, s8, s8, $0xb8;
	[tilespmem:$0x10400] =	vst v63  }
0x4b: {  	_ = 	snop  }
0x4c: {  	[tilespmem:s14], [sflag:$0x2] =	stream.indirect.gather [hbm4b:s10+s8], $0x40, s13, s8, $0xb8;
	[tilespmem:$0x10400] =	vst v63  }
0x4d: {  	_ = 	snop  }
0x4e: {  	[tilespmem:s16], [sflag:$0x1] =	stream.indirect.gather [hbm4b:s7+s8], $0x40, s15, s8, $0xb8;
	[tilespmem:$0x10400] =	vst v63  }
0x4f: {  	_ = 	snop  }
0x50: {  	[tilespmem:s18], [sflag:$0x2] =	stream.indirect.gather [hbm4b:s10+s8], $0x40, s17, s8, $0xb8;
	[tilespmem:$0x10400] =	vst v63  }
0x51: {  	_ = 	snop  }
0x52: {  	[tilespmem:s20], [sflag:$0x1] =	stream.indirect.gather [hbm4b:s7+s8], $0x40, s19, s8, $0xb8;
	[tilespmem:$0x10400] =	vst v63  }
0x53: {  	_ = 	snop  }
0x54: {  	[tilespmem:s22], [sflag:$0x2] =	stream.indirect.gather [hbm4b:s10+s8], $0x40, s21, s8, $0xb8;
	[tilespmem:$0x10400] =	vst v63  }
0x55: {  	_ =	swait.ge [sflag:s23], $0x2000  }
0x56: {  	[sflag:s23] =	ssyncset.done $0x0  }
0x57: {  	[sflag:s23] =	ssyncadd.s32 $0xFFFFE000  }
0x58: {  	_ =	swait.ge [sflag:s24], $0x2000  }
0x59: {  	[sflag:s24] =	ssyncset.done $0x0  }
0x5a: {  	[sflag:s24] =	ssyncadd.s32 $0xFFFFE000  }
0x5b: {  	_ =	swait.ge [sflag:s23], $0x2000  }
0x5c: {  	[sflag:s23] =	ssyncset.done $0x0  }
0x5d: {  	[sflag:s23] =	ssyncadd.s32 $0xFFFFE000  }
0x5e: {  	_ =	swait.ge [sflag:s24], $0x2000  }
0x5f: {  	[sflag:s24] =	ssyncset.done $0x0  }
0x60: {  	[sflag:s24] =	ssyncadd.s32 $0xFFFFE000  }
0x61: {  	_ =	swait.ge [sflag:s23], $0x2000  }
0x62: {  	[sflag:s23] =	ssyncset.done $0x0  }
0x63: {  	[sflag:s23] =	ssyncadd.s32 $0xFFFFE000  }
0x64: {  	_ =	swait.ge [sflag:s24], $0x2000  }
0x65: {  	[sflag:s24] =	ssyncset.done $0x0  }
0x66: {  	[sflag:s24] =	ssyncadd.s32 $0xFFFFE000  }
0x67: {  	_ =	swait.ge [sflag:s23], $0x2000  }
0x68: {  	[sflag:s23] =	ssyncset.done $0x0  }
0x69: {  	[sflag:s23] =	ssyncadd.s32 $0xFFFFE000  }
0x6a: {  	_ =	swait.ge [sflag:s24], $0x2000  }
0x6b: {  	[sflag:s24] =	ssyncset.done $0x0  }
0x6c: {  	[sflag:s24] =	ssyncadd.s32 $0xFFFFE000  }
0x6d: {  	[hbm4b:s25+s2] =	stream.linear.scatter [tilespmem:s9], [sflag:$0x3], $0x8000, $0x38;
	[tilespmem:$0x10400] =	vst v63  }
0x6e: {  	_ =	swait.ge [sflag:s3], $0x8000  }
.Ltmp1:
0x6f: {  	[sflag:s3] =	ssyncset.done $0x0;
	(pc) =	sbr.rel @p0 .LBB2_1-.Ltmp1, $4  }
0x70: {  	[sflag:s3] =	ssyncadd.s32 $0xFFFF8000  }
0x71: {  	[hbm4b:s26+s2] =	stream.linear.scatter [tilespmem:s11], [sflag:$0x3], $0x8000, $0x38;
	[tilespmem:$0x10400] =	vst v63  }
0x72: {  	_ =	swait.ge [sflag:s3], $0x8000  }
0x73: {  	[sflag:s3] =	ssyncset.done $0x0  }
.LBB2_2:
0x74: {  	[sflag:s3] =	ssyncadd.s32 $0xFFFF8000  }
0x75: {  	_ =	sfence.sel $0x180000  }
0x76: {  	[bflag:$0x0] =	sbarrier.arrive $0xFFFF  }
0x77: {  	p0 =	sne.s32 s0, $0x0;
	_ =	strace $0x90000047  }
0x78: {  	s0 =	sadd.s32 @!p0 $0x100000, s1;
	[bflag:$0x2] =	sbarrier.arrive $0xFFFF  }
0x79: {  	[sflag:s0] =	ssyncadd.tile.s32 @!p0 $0x1;
	_ =	shalt  }
.Lfunc_end2:
_tile_overlayer_lowered:
.L_overlay_start_2:
0x7a: {  	(tag) =	ssettag $0x2  }
0x7b: {  	s0 =	rddreg [dreg:$0x0];
	s2 =	stileid.u32  }
0x7c: {  	s1 =	rddreg [dreg:$0x1];
	p0 =	sne.s32 s2, $0x0  }
0x7d: {  	s3 =	rddreg [dreg:$0x2];
	[bflag:$0x3] =	sbarrier.arrive $0xFFFF;
	s2 =	simm.s32 @!p0 $0x1C03  }
0x7e: {  	[timem:s3], [sflag:s2] =	dma.local @!p0 [hbm:s0], s1  }
0x7f: {  	s0 =	simm.s32 @!p0 $0x3  }
0x80: {  	_ =	swait.ge @!p0 [sflag:s0], s1  }
0x81: {  	s1 =	ssub.s32 @!p0 $0x0, s1;
	[sflag:s0] =	ssyncset.done @!p0 $0x0  }
0x82: {  	[sflag:s0] =	ssyncadd.s32 @!p0 s1  }
0x83: {  	[bflag:$0x3] =	sbarrier.arrive $0xFFFF  }
0x84: {  	_ =	shalt  }

</sc_bundles>
